<compile_context>
chip_gen: v7x
topology: tpu7x:2x2x1
jax: 0.10.2.dev20260603
libtpu: 0.0.44.dev20260713+nightly
codegen_flags: <defaults>
</compile_context>

<pallas_src>
import functools

import jax
import jax.numpy as jnp
from jax import lax
from jax.experimental import pallas as pl
from jax.experimental.pallas import tpu as pltpu
from jax.experimental.pallas import tpu_sc as plsc

_NE = 1024
_ED = 128
_NBIT = 10
_BETA = 0.25
_SNR_DB = 10.0

_TOK_BLK = 4096

_NC, _NS = 2, 16
_NW = _NC * _NS
_GCHUNK = 160


def _vq_argmin_body(zf_ref, embt_ref, zsq_ref, am_ref, om_ref, ridx_ref,
                    loss_ref):
    zf = zf_ref[...]
    embt = embt_ref[...]
    mm = jnp.dot(zf, embt, preferred_element_type=jnp.float32)
    zsq = jnp.transpose(zsq_ref[0], (1, 0))
    ssq = jnp.sum(embt * embt, axis=0, keepdims=True)
    d = (zsq + ssq) - 2.0 * mm
    dmin = jnp.min(d, axis=1, keepdims=True)
    ids = lax.broadcasted_iota(jnp.int32, (1, _NE), 1)
    idx = jnp.min(jnp.where(d == dmin, ids, _NE), axis=1, keepdims=True)
    idx_l = jnp.transpose(idx, (1, 0))
    ridx_ref[...] = ((idx_l & am_ref[0]) | om_ref[0])[None]

    @pl.when(pl.program_id(0) == 0)
    def _init():
        loss_ref[...] = jnp.zeros_like(loss_ref)

    loss_ref[...] += jnp.sum(dmin, axis=0, keepdims=True)


def _tc_vq(zp, embt, zsq3, am, om, blk0, nblk_i):
    return pl.pallas_call(
        _vq_argmin_body,
        grid=(nblk_i,),
        in_specs=[
            pl.BlockSpec((_TOK_BLK, _ED), lambda i: (blk0 + i, 0)),
            pl.BlockSpec((_ED, _NE), lambda i: (0, 0)),
            pl.BlockSpec((1, 1, _TOK_BLK), lambda i: (blk0 + i, 0, 0)),
            pl.BlockSpec((1, 1, _TOK_BLK), lambda i: (blk0 + i, 0, 0)),
            pl.BlockSpec((1, 1, _TOK_BLK), lambda i: (blk0 + i, 0, 0)),
        ],
        out_specs=[
            pl.BlockSpec((1, 1, _TOK_BLK), lambda i: (i, 0, 0)),
            pl.BlockSpec((1, 1), lambda i: (0, 0)),
        ],
        out_shape=[
            jax.ShapeDtypeStruct((nblk_i, 1, _TOK_BLK), jnp.int32),
            jax.ShapeDtypeStruct((1, 1), jnp.float32),
        ],
    )(zp, embt, zsq3, am, om)


def _sc_gather(ridx, emb):
    ntok = ridx.shape[0]
    bpw = ntok // _NW
    nch = bpw // _GCHUNK
    mesh = plsc.VectorSubcoreMesh(core_axis_name="c", subcore_axis_name="s")

    @functools.partial(
        pl.kernel,
        mesh=mesh,
        out_type=jax.ShapeDtypeStruct((ntok, _ED), jnp.float32),
        scratch_types=[
            pltpu.VMEM((bpw,), jnp.int32),
            pltpu.VMEM((_GCHUNK, _ED), jnp.float32),
            pltpu.VMEM((_GCHUNK, _ED), jnp.float32),
            pltpu.SemaphoreType.DMA,
            pltpu.SemaphoreType.DMA,
        ],
    )
    def gather_k(ridx_hbm, emb_hbm, out_hbm, idx_v, buf0, buf1, sem0, sem1):
        wid = lax.axis_index("s") * _NC + lax.axis_index("c")
        base = wid * bpw
        pltpu.sync_copy(ridx_hbm.at[pl.ds(base, bpw)], idx_v)

        def chunk2(i, carry):
            o0 = (2 * i) * _GCHUNK
            o1 = o0 + _GCHUNK
            a0 = pltpu.async_copy(emb_hbm.at[idx_v.at[pl.ds(o0, _GCHUNK)]],
                                  buf0, sem0)
            a1 = pltpu.async_copy(emb_hbm.at[idx_v.at[pl.ds(o1, _GCHUNK)]],
                                  buf1, sem1)
            a0.wait()
            pltpu.sync_copy(buf0, out_hbm.at[pl.ds(base + o0, _GCHUNK)])
            a1.wait()
            pltpu.sync_copy(buf1, out_hbm.at[pl.ds(base + o1, _GCHUNK)])
            return carry

        lax.fori_loop(0, nch // 2, chunk2, 0)

    return gather_k(ridx, emb)


@functools.lru_cache(maxsize=None)
def _channel_masks(nbatch, npos):
    ntok = nbatch * npos
    """Bit force-0 / force-1 masks of the fixed-key AWGN channel.

    The channel noise uses a fixed PRNG key, so the masks are
    input-independent; evaluate them once at trace time and bake them into
    the program as constants.
    """
    cpu = jax.devices("cpu")[0]
    with jax.ensure_compile_time_eval(), jax.default_device(cpu):
        shifts = jnp.arange(_NBIT - 1, -1, -1, dtype=jnp.int32)
        snr_linear = 10.0 ** (_SNR_DB / 10.0)
        noise_std = jnp.sqrt(jnp.asarray(0.5 / snr_linear, dtype=jnp.float32))
        noise = jax.random.normal(jax.random.key(1234), (ntok * _NBIT,),
                                  dtype=jnp.float32) * noise_std
        n = noise.reshape(-1, _NBIT)
        pw = jnp.left_shift(jnp.int32(1), shifts)
        keep1 = (1.0 + n) >= 0.0
        make1 = (-1.0 + n) >= 0.0
        and_mask = jnp.sum(jnp.where(keep1, pw, 0), axis=1).astype(jnp.int32)
        or_mask = jnp.sum(jnp.where(make1, pw, 0), axis=1).astype(jnp.int32)
        import numpy as _np
        nblk = ntok // _TOK_BLK
        am = _np.asarray(and_mask).reshape(nbatch, npos).T.reshape(nblk, 1, _TOK_BLK)
        om = _np.asarray(or_mask).reshape(nbatch, npos).T.reshape(nblk, 1, _TOK_BLK)
        return _np.ascontiguousarray(am), _np.ascontiguousarray(om)


def kernel(z, emb):
    b, c, h, w = z.shape
    hw = h * w
    ntok = b * hw
    zp = jnp.transpose(z.reshape(b, c, hw), (2, 0, 1)).reshape(ntok, _ED)
    embt = jnp.transpose(emb)
    am, om = _channel_masks(b, hw)
    am = jnp.asarray(am)
    om = jnp.asarray(om)
    zsq3 = jnp.sum(zp ** 2, axis=1).reshape(ntok // _TOK_BLK, 1, _TOK_BLK)
    ridx2, loss_sum = _tc_vq(zp, embt, zsq3, am, om, 0, ntok // _TOK_BLK)
    loss = loss_sum[0, 0] * jnp.float32((1.0 + _BETA) / float(z.size))
    zq = _sc_gather(ridx2.reshape(ntok), emb)
    out = jnp.transpose(zq.reshape(hw, b, _ED), (1, 2, 0)).reshape(b, c, h, w)
    return loss, out

# --- scband reference (transcript-rebuilt; emitter-appended) ---
"""Pipeline reference for scband-vector-quantizer-with-channel-49134425866706 (READ-ONLY COPY).

The authoritative reference and input builder live on the scoring server;
editing this copy changes nothing except your own understanding.
"""

import jax, jax.numpy as jnp
import numpy as np

N_E = 1024
NUM_BITS = 10
E_DIM = 128
BETA = 0.25
SNR_DB = 10.0


def setup_inputs(seed: int = 0) -> dict:
    key = jax.random.key(seed)
    k1, k2 = jax.random.split(key)
    z = jax.random.normal(k1, (4096, 128, 5, 5), dtype=jnp.float32)
    emb = jax.random.uniform(k2, (N_E, E_DIM), minval=-1.0 / N_E, maxval=1.0 / N_E, dtype=jnp.float32)
    return {"z": z, "emb": emb}


def _quantize(z, emb):
    zp = jnp.transpose(z, (0, 2, 3, 1))
    zf = zp.reshape(-1, E_DIM)
    d = (jnp.sum(zf ** 2, axis=1, keepdims=True)
         + jnp.sum(emb ** 2, axis=1)
         - 2.0 * jnp.matmul(zf, emb.T))
    idx = jnp.argmin(d, axis=1)
    # one-hot @ emb is equivalent to a gather from the codebook
    z_q = jnp.take(emb, idx, axis=0).reshape(zp.shape)
    z_q = jnp.transpose(z_q, (0, 3, 1, 2))
    loss = (jnp.mean((jax.lax.stop_gradient(z_q) - z) ** 2)
            + BETA * jnp.mean((z_q - jax.lax.stop_gradient(z)) ** 2))
    z_q_1 = z + jax.lax.stop_gradient(z_q - z)
    return loss, z_q_1, idx


def _awgn_channel_roundtrip(idx):
    # indices -> bipolar bits -> AWGN -> hard decision -> indices
    shifts = jnp.arange(NUM_BITS - 1, -1, -1, dtype=jnp.int32)
    bits = jnp.right_shift(idx[:, None].astype(jnp.int32), shifts) & 1
    uni = bits.astype(jnp.float32).reshape(-1)
    bip = 2.0 * uni - 1.0
    snr_linear = 10.0 ** (SNR_DB / 10.0)
    noise_std = jnp.sqrt(jnp.asarray(0.5 / snr_linear, dtype=jnp.float32))
    noise = jax.random.normal(jax.random.key(1234), bip.shape, dtype=jnp.float32) * noise_std
    r = bip + noise
    r = jnp.where(r >= 0, 1.0, -1.0)
    rbits = ((r + 1.0) / 2.0).astype(jnp.int32).reshape(-1, NUM_BITS)
    pw = jnp.left_shift(jnp.int32(1), shifts)
    r_idx = jnp.sum(rbits * pw, axis=1)
    return r_idx


def reference(z, emb):
    loss, z_q_1, idx = _quantize(z, emb)
    # channel block runs under no_grad in torch
    r_idx = _awgn_channel_roundtrip(jax.lax.stop_gradient(idx))
    emb_sg = jax.lax.stop_gradient(emb)
    z_q_rec = jnp.take(emb_sg, r_idx, axis=0).reshape(-1, 5, 5, 128)
    z_q_rec = jnp.transpose(z_q_rec, (0, 3, 1, 2))
    z_q_rec_1 = z_q_1 + jax.lax.stop_gradient(z_q_rec - z_q_1)
    return loss, z_q_rec_1

if __name__ == "__main__":
    import jax
    _d = setup_inputs()
    print(jax.jit(kernel)(*tuple(_d.values())))

</pallas_src>

<mosaic_0001>
#map = affine_map<(d0, d1) -> (0)>
#map1 = affine_map<(d0, d1) -> (0, 0)>
module attributes {stable_mosaic.version = 14 : i64} {
  func.func @gather_k(%arg0: i32, %arg1: i32, %arg2: memref<102400xi32, #tpu.memory_space<hbm>>, %arg3: memref<1024x128xf32, #tpu.memory_space<hbm>>, %arg4: memref<102400x128xf32, #tpu.memory_space<hbm>>, %arg5: memref<3200xi32, #tpu.memory_space<vmem>>, %arg6: memref<160x128xf32, #tpu.memory_space<vmem>>, %arg7: memref<160x128xf32, #tpu.memory_space<vmem>>, %arg8: memref<!tpu.dma_semaphore, #tpu.memory_space<semaphore_mem>>, %arg9: memref<!tpu.dma_semaphore, #tpu.memory_space<semaphore_mem>>) attributes {dimension_semantics = [#tpu.dimension_semantics<core_parallel>, #tpu.dimension_semantics<subcore_parallel>], iteration_bounds = array<i64: 2, 16>, scalar_prefetch = 0 : i64, scratch_operands = 5 : i64, tpu.core_type = #tpu.core_type<sc_vector_subcore>, window_params = [{transform_indices = #map}, {transform_indices = #map1}, {transform_indices = #map1}]} {
    %mul3A = arith.constant 2 : i32
    %mul3A_0 = arith.muli %arg1, %mul3A : i32
    %add3A = arith.addi %mul3A_0, %arg0 : i32
    %mul3A_1 = arith.constant 3200 : i32
    %mul3A_2 = arith.muli %add3A, %mul3A_1 : i32
    "tpu.region"() ({
      %run_scoped3A = tpu.sem_alloc : memref<!tpu.dma_semaphore, #tpu.memory_space<semaphore_mem>>
      %dma_start3A = tpu.memref_slice %arg2[%mul3A_2] : memref<102400xi32, #tpu.memory_space<hbm>> -> memref<3200xi32, #tpu.memory_space<hbm>>
      %dma_start3A_8 = tpu.memref_slice %arg2[%mul3A_2] : memref<102400xi32, #tpu.memory_space<hbm>> -> memref<3200xi32, #tpu.memory_space<hbm>>
      tpu.enqueue_dma source(%dma_start3A_8 : memref<3200xi32, #tpu.memory_space<hbm>>) target(%arg5 : memref<3200xi32, #tpu.memory_space<vmem>>) target_semaphore(%run_scoped3A : memref<!tpu.dma_semaphore, #tpu.memory_space<semaphore_mem>>)
      %dma_wait3A = tpu.memref_slice %arg2[%mul3A_2] : memref<102400xi32, #tpu.memory_space<hbm>> -> memref<3200xi32, #tpu.memory_space<hbm>>
      %dma_wait3A_9 = tpu.memref_slice %arg2[%mul3A_2] : memref<102400xi32, #tpu.memory_space<hbm>> -> memref<3200xi32, #tpu.memory_space<hbm>>
      tpu.wait_dma2 semaphore(%run_scoped3A : memref<!tpu.dma_semaphore, #tpu.memory_space<semaphore_mem>>) src(%dma_wait3A_9 : memref<3200xi32, #tpu.memory_space<hbm>>) dst(%arg5 : memref<3200xi32, #tpu.memory_space<vmem>>)
      tpu.yield
    }) : () -> ()
    %scan3A = arith.constant 0 : i32
    %scan3A_3 = arith.constant 0 : i32
    %scan3A_4 = arith.constant 10 : i32
    %scan3A_5 = arith.addi %scan3A_3, %scan3A_4 : i32
    %scan3A_6 = arith.constant 1 : i32
    scf.for %scan3A_8 = %scan3A_3 to %scan3A_5 step %scan3A_6  : i32 {
      %mul3A_9 = arith.constant 2 : i32
      %mul3A_10 = arith.muli %mul3A_9, %scan3A_8 : i32
      %mul3A_11 = arith.constant 160 : i32
      %mul3A_12 = arith.muli %mul3A_10, %mul3A_11 : i32
      %add3A_13 = arith.constant 160 : i32
      %add3A_14 = arith.addi %mul3A_12, %add3A_13 : i32
      %dma_start3A = tpu.memref_slice %arg5[%mul3A_12] : memref<3200xi32, #tpu.memory_space<vmem>> -> memref<160xi32, #tpu.memory_space<vmem>>
      %dma_start3A_15 = arith.constant 0 : i32
      %dma_start3A_16 = arith.constant 0 : i32
      %dma_start3A_17 = tpu.memref_slice %arg3[%dma_start3A_15, %dma_start3A_16] : memref<1024x128xf32, #tpu.memory_space<hbm>> -> memref<1024x128xf32, #tpu.memory_space<hbm>>
      tpu.enqueue_indirect_dma source(%dma_start3A_17 : memref<1024x128xf32, #tpu.memory_space<hbm>>) target(%arg6 : memref<160x128xf32, #tpu.memory_space<vmem>>) offsets(%dma_start3A : memref<160xi32, #tpu.memory_space<vmem>>) semaphore(%arg8 : memref<!tpu.dma_semaphore, #tpu.memory_space<semaphore_mem>>)
      %dma_start3A_18 = tpu.memref_slice %arg5[%add3A_14] : memref<3200xi32, #tpu.memory_space<vmem>> -> memref<160xi32, #tpu.memory_space<vmem>>
      %dma_start3A_19 = arith.constant 0 : i32
      %dma_start3A_20 = arith.constant 0 : i32
      %dma_start3A_21 = tpu.memref_slice %arg3[%dma_start3A_19, %dma_start3A_20] : memref<1024x128xf32, #tpu.memory_space<hbm>> -> memref<1024x128xf32, #tpu.memory_space<hbm>>
      tpu.enqueue_indirect_dma source(%dma_start3A_21 : memref<1024x128xf32, #tpu.memory_space<hbm>>) target(%arg7 : memref<160x128xf32, #tpu.memory_space<vmem>>) offsets(%dma_start3A_18 : memref<160xi32, #tpu.memory_space<vmem>>) semaphore(%arg9 : memref<!tpu.dma_semaphore, #tpu.memory_space<semaphore_mem>>)
      %dma_wait3A = tpu.memref_slice %arg5[%mul3A_12] : memref<3200xi32, #tpu.memory_space<vmem>> -> memref<160xi32, #tpu.memory_space<vmem>>
      %dma_wait3A_22 = arith.constant 0 : i32
      %dma_wait3A_23 = arith.constant 0 : i32
      %dma_wait3A_24 = tpu.memref_slice %arg3[%dma_wait3A_22, %dma_wait3A_23] : memref<1024x128xf32, #tpu.memory_space<hbm>> -> memref<1024x128xf32, #tpu.memory_space<hbm>>
      tpu.wait_indirect_dma semaphore(%arg8 : memref<!tpu.dma_semaphore, #tpu.memory_space<semaphore_mem>>) src(%dma_wait3A_24 : memref<1024x128xf32, #tpu.memory_space<hbm>>) dst(%arg6 : memref<160x128xf32, #tpu.memory_space<vmem>>)
      %add3A_25 = arith.addi %mul3A_2, %mul3A_12 : i32
      "tpu.region"() ({
        %run_scoped3A = tpu.sem_alloc : memref<!tpu.dma_semaphore, #tpu.memory_space<semaphore_mem>>
        %dma_start3A_31 = arith.constant 0 : i32
        %dma_start3A_32 = tpu.memref_slice %arg4[%add3A_25, %dma_start3A_31] : memref<102400x128xf32, #tpu.memory_space<hbm>> -> memref<160x128xf32, #tpu.memory_space<hbm>>
        %dma_start3A_33 = arith.constant 0 : i32
        %dma_start3A_34 = tpu.memref_slice %arg4[%add3A_25, %dma_start3A_33] : memref<102400x128xf32, #tpu.memory_space<hbm>> -> memref<160x128xf32, #tpu.memory_space<hbm>>
        tpu.enqueue_dma source(%arg6 : memref<160x128xf32, #tpu.memory_space<vmem>>) target(%dma_start3A_34 : memref<160x128xf32, #tpu.memory_space<hbm>>) target_semaphore(%run_scoped3A : memref<!tpu.dma_semaphore, #tpu.memory_space<semaphore_mem>>)
        %dma_wait3A_35 = arith.constant 0 : i32
        %dma_wait3A_36 = tpu.memref_slice %arg4[%add3A_25, %dma_wait3A_35] : memref<102400x128xf32, #tpu.memory_space<hbm>> -> memref<160x128xf32, #tpu.memory_space<hbm>>
        %dma_wait3A_37 = arith.constant 0 : i32
        %dma_wait3A_38 = tpu.memref_slice %arg4[%add3A_25, %dma_wait3A_37] : memref<102400x128xf32, #tpu.memory_space<hbm>> -> memref<160x128xf32, #tpu.memory_space<hbm>>
        tpu.wait_dma2 semaphore(%run_scoped3A : memref<!tpu.dma_semaphore, #tpu.memory_space<semaphore_mem>>) src(%arg6 : memref<160x128xf32, #tpu.memory_space<vmem>>) dst(%dma_wait3A_38 : memref<160x128xf32, #tpu.memory_space<hbm>>)
        tpu.yield
      }) : () -> ()
      %dma_wait3A_26 = tpu.memref_slice %arg5[%add3A_14] : memref<3200xi32, #tpu.memory_space<vmem>> -> memref<160xi32, #tpu.memory_space<vmem>>
      %dma_wait3A_27 = arith.constant 0 : i32
      %dma_wait3A_28 = arith.constant 0 : i32
      %dma_wait3A_29 = tpu.memref_slice %arg3[%dma_wait3A_27, %dma_wait3A_28] : memref<1024x128xf32, #tpu.memory_space<hbm>> -> memref<1024x128xf32, #tpu.memory_space<hbm>>
      tpu.wait_indirect_dma semaphore(%arg9 : memref<!tpu.dma_semaphore, #tpu.memory_space<semaphore_mem>>) src(%dma_wait3A_29 : memref<1024x128xf32, #tpu.memory_space<hbm>>) dst(%arg7 : memref<160x128xf32, #tpu.memory_space<vmem>>)
      %add3A_30 = arith.addi %mul3A_2, %add3A_14 : i32
      "tpu.region"() ({
        %run_scoped3A = tpu.sem_alloc : memref<!tpu.dma_semaphore, #tpu.memory_space<semaphore_mem>>
        %dma_start3A_31 = arith.constant 0 : i32
        %dma_start3A_32 = tpu.memref_slice %arg4[%add3A_30, %dma_start3A_31] : memref<102400x128xf32, #tpu.memory_space<hbm>> -> memref<160x128xf32, #tpu.memory_space<hbm>>
        %dma_start3A_33 = arith.constant 0 : i32
        %dma_start3A_34 = tpu.memref_slice %arg4[%add3A_30, %dma_start3A_33] : memref<102400x128xf32, #tpu.memory_space<hbm>> -> memref<160x128xf32, #tpu.memory_space<hbm>>
        tpu.enqueue_dma source(%arg7 : memref<160x128xf32, #tpu.memory_space<vmem>>) target(%dma_start3A_34 : memref<160x128xf32, #tpu.memory_space<hbm>>) target_semaphore(%run_scoped3A : memref<!tpu.dma_semaphore, #tpu.memory_space<semaphore_mem>>)
        %dma_wait3A_35 = arith.constant 0 : i32
        %dma_wait3A_36 = tpu.memref_slice %arg4[%add3A_30, %dma_wait3A_35] : memref<102400x128xf32, #tpu.memory_space<hbm>> -> memref<160x128xf32, #tpu.memory_space<hbm>>
        %dma_wait3A_37 = arith.constant 0 : i32
        %dma_wait3A_38 = tpu.memref_slice %arg4[%add3A_30, %dma_wait3A_37] : memref<102400x128xf32, #tpu.memory_space<hbm>> -> memref<160x128xf32, #tpu.memory_space<hbm>>
        tpu.wait_dma2 semaphore(%run_scoped3A : memref<!tpu.dma_semaphore, #tpu.memory_space<semaphore_mem>>) src(%arg7 : memref<160x128xf32, #tpu.memory_space<vmem>>) dst(%dma_wait3A_38 : memref<160x128xf32, #tpu.memory_space<hbm>>)
        tpu.yield
      }) : () -> ()
    }
    %scan3A_7 = arith.constant 10 : i32
    return
  }
}

module attributes {stable_mosaic.version = 14 : i64} {
  func.func @_vq_argmin_body(%arg0: i32, %arg1: memref<4096x128xf32, #tpu.memory_space<vmem>>, %arg2: memref<128x1024xf32, #tpu.memory_space<vmem>>, %arg3: memref<1x1x4096xf32, #tpu.memory_space<vmem>>, %arg4: memref<1x1x4096xi32, #tpu.memory_space<vmem>>, %arg5: memref<1x1x4096xi32, #tpu.memory_space<vmem>>, %arg6: memref<1x1x4096xi32, #tpu.memory_space<vmem>>, %arg7: memref<1x1xf32, #tpu.memory_space<vmem>>) attributes {dimension_semantics = [#tpu.dimension_semantics<arbitrary>], iteration_bounds = array<i64: 25>, scalar_prefetch = 0 : i64, scratch_operands = 0 : i64, tpu.core_type = #tpu.core_type<tc>, window_params = [{transform_indices = @transform_0, window_bounds = array<i64: 4096, 128>}, {pipeline_mode = #tpu.pipeline_mode<synchronous>, transform_indices = @transform_1, window_bounds = array<i64: 128, 1024>}, {transform_indices = @transform_2, window_bounds = array<i64: 1, 1, 4096>}, {transform_indices = @transform_3, window_bounds = array<i64: 1, 1, 4096>}, {transform_indices = @transform_4, window_bounds = array<i64: 1, 1, 4096>}, {transform_indices = @transform_5, window_bounds = array<i64: 1, 1, 4096>}, {pipeline_mode = #tpu.pipeline_mode<synchronous>, transform_indices = @transform_6, window_bounds = array<i64: 1, 1>}]} {
    %get3A = arith.constant 0 : index
    %get3A_0 = arith.constant 0 : index
    %get3A_1 = vector.load %arg1[%get3A, %get3A_0] : memref<4096x128xf32, #tpu.memory_space<vmem>>, vector<4096x128xf32>
    %get3A_2 = arith.constant 0 : index
    %get3A_3 = arith.constant 0 : index
    %get3A_4 = vector.load %arg2[%get3A_2, %get3A_3] : memref<128x1024xf32, #tpu.memory_space<vmem>>, vector<128x1024xf32>
    %dot_general3A = arith.constant dense<0.000000e+00> : vector<4096x1024xf32>
    %dot_general3A_5 = tpu.matmul %get3A_1, %get3A_4, %dot_general3A {dimension_numbers = #tpu.dot_dimension_numbers<[1], [0], [0], [1], [0, 0, 1, 1], [], []>, transpose_lhs_hint = false} : vector<4096x128xf32>, vector<128x1024xf32>, vector<4096x1024xf32> -> vector<4096x1024xf32>
    %get3A_6 = arith.constant 0 : index
    %get3A_7 = arith.constant 0 : index
    %get3A_8 = arith.constant 0 : index
    %get3A_9 = vector.load %arg3[%get3A_6, %get3A_7, %get3A_8] : memref<1x1x4096xf32, #tpu.memory_space<vmem>>, vector<1x1x4096xf32>
    %get3A_10 = vector.shape_cast %get3A_9 : vector<1x1x4096xf32> to vector<1x4096xf32>
    %transpose3A = tpu.transpose %get3A_10, [1, 0] : vector<1x4096xf32> -> vector<4096x1xf32>
    %mul3A = arith.mulf %get3A_4, %get3A_4 : vector<128x1024xf32>
    %reduce_sum3A = arith.constant dense<0.000000e+00> : vector<1024xf32>
    %reduce_sum3A_11 = vector.multi_reduction <add>, %mul3A, %reduce_sum3A [0] : vector<128x1024xf32> to vector<1024xf32>
    %broadcast_in_dim3A = vector.shape_cast %reduce_sum3A_11 : vector<1024xf32> to vector<1x1024xf32>
    %add3A = vector.broadcast %transpose3A : vector<4096x1xf32> to vector<4096x1024xf32>
    %add3A_12 = vector.broadcast %broadcast_in_dim3A : vector<1x1024xf32> to vector<4096x1024xf32>
    %add3A_13 = arith.addf %add3A, %add3A_12 : vector<4096x1024xf32>
    %mul3A_14 = arith.constant 2.000000e+00 : f32
    %mul3A_15 = vector.broadcast %mul3A_14 : f32 to vector<4096x1024xf32>
    %mul3A_16 = arith.mulf %mul3A_15, %dot_general3A_5 : vector<4096x1024xf32>
    %sub3A = arith.subf %add3A_13, %mul3A_16 : vector<4096x1024xf32>
    %reduce_min3A = arith.constant dense<0x7F800000> : vector<4096xf32>
    %reduce_min3A_17 = vector.multi_reduction <minimumf>, %sub3A, %reduce_min3A [1] : vector<4096x1024xf32> to vector<4096xf32>
    %broadcast_in_dim3A_18 = vector.shape_cast %reduce_min3A_17 : vector<4096xf32> to vector<4096x1xf32>
    %iota3A = tpu.iota {dimensions = array<i32: 1>} : vector<1x1024xi32>
    %eq3A = vector.broadcast %broadcast_in_dim3A_18 : vector<4096x1xf32> to vector<4096x1024xf32>
    %eq3A_19 = arith.cmpf oeq, %sub3A, %eq3A : vector<4096x1024xf32>
    %jit3A = arith.constant 1024 : i32
    %broadcast_in_dim3A_20 = vector.shape_cast %iota3A : vector<1x1024xi32> to vector<1x1024xi32>
    %broadcast_in_dim3A_21 = vector.broadcast %broadcast_in_dim3A_20 : vector<1x1024xi32> to vector<4096x1024xi32>
    %broadcast_in_dim3A_22 = vector.broadcast %jit3A : i32 to vector<4096x1024xi32>
    %select_n3A = arith.select %eq3A_19, %broadcast_in_dim3A_21, %broadcast_in_dim3A_22 : vector<4096x1024xi1>, vector<4096x1024xi32>
    %reduce_min3A_23 = arith.constant dense<2147483647> : vector<4096xi32>
    %reduce_min3A_24 = vector.multi_reduction <minsi>, %select_n3A, %reduce_min3A_23 [1] : vector<4096x1024xi32> to vector<4096xi32>
    %broadcast_in_dim3A_25 = vector.shape_cast %reduce_min3A_24 : vector<4096xi32> to vector<4096x1xi32>
    %transpose3A_26 = tpu.transpose %broadcast_in_dim3A_25, [1, 0] : vector<4096x1xi32> -> vector<1x4096xi32>
    %get3A_27 = arith.constant 0 : index
    %get3A_28 = arith.constant 0 : index
    %get3A_29 = arith.constant 0 : index
    %get3A_30 = vector.load %arg4[%get3A_27, %get3A_28, %get3A_29] : memref<1x1x4096xi32, #tpu.memory_space<vmem>>, vector<1x1x4096xi32>
    %get3A_31 = vector.shape_cast %get3A_30 : vector<1x1x4096xi32> to vector<1x4096xi32>
    %and3A = arith.andi %transpose3A_26, %get3A_31 : vector<1x4096xi32>
    %get3A_32 = arith.constant 0 : index
    %get3A_33 = arith.constant 0 : index
    %get3A_34 = arith.constant 0 : index
    %get3A_35 = vector.load %arg5[%get3A_32, %get3A_33, %get3A_34] : memref<1x1x4096xi32, #tpu.memory_space<vmem>>, vector<1x1x4096xi32>
    %get3A_36 = vector.shape_cast %get3A_35 : vector<1x1x4096xi32> to vector<1x4096xi32>
    %or3A = arith.ori %and3A, %get3A_36 : vector<1x4096xi32>
    %broadcast_in_dim3A_37 = vector.shape_cast %or3A : vector<1x4096xi32> to vector<1x1x4096xi32>
    %swap3A = arith.constant 0 : index
    %swap3A_38 = arith.constant 0 : index
    %swap3A_39 = arith.constant 0 : index
    %swap3A_40 = vector.load %arg6[%swap3A, %swap3A_38, %swap3A_39] : memref<1x1x4096xi32, #tpu.memory_space<vmem>>, vector<1x1x4096xi32>
    tpu.vector_store %arg6[%swap3A, %swap3A_38, %swap3A_39], %broadcast_in_dim3A_37 {strides = array<i32>} : memref<1x1x4096xi32, #tpu.memory_space<vmem>>, vector<1x1x4096xi32>,
    %eq3A_41 = arith.constant 0 : i32
    %eq3A_42 = arith.cmpi eq, %arg0, %eq3A_41 : i32
    %convert_element_type3A = arith.extui %eq3A_42 : i1 to i32
    %cond3A = arith.constant 0 : i32
    %cond3A_43 = arith.cmpi ne, %convert_element_type3A, %cond3A : i32
    scf.if %cond3A_43 {
      %broadcast_in_dim3A_54 = arith.constant 0.000000e+00 : f32
      %broadcast_in_dim3A_55 = vector.broadcast %broadcast_in_dim3A_54 : f32 to vector<1x1xf32>
      %swap3A_56 = arith.constant 0 : index
      %swap3A_57 = arith.constant 0 : index
      %swap3A_58 = vector.load %arg7[%swap3A_56, %swap3A_57] : memref<1x1xf32, #tpu.memory_space<vmem>>, vector<1x1xf32>
      tpu.vector_store %arg7[%swap3A_56, %swap3A_57], %broadcast_in_dim3A_55 {strides = array<i32>} : memref<1x1xf32, #tpu.memory_space<vmem>>, vector<1x1xf32>,
    } else {
    }
    %get3A_44 = arith.constant 0 : index
    %get3A_45 = arith.constant 0 : index
    %get3A_46 = vector.load %arg7[%get3A_44, %get3A_45] : memref<1x1xf32, #tpu.memory_space<vmem>>, vector<1x1xf32>
    %reduce_sum3A_47 = arith.constant dense<0.000000e+00> : vector<1xf32>
    %reduce_sum3A_48 = vector.multi_reduction <add>, %broadcast_in_dim3A_18, %reduce_sum3A_47 [0] : vector<4096x1xf32> to vector<1xf32>
    %broadcast_in_dim3A_49 = vector.shape_cast %reduce_sum3A_48 : vector<1xf32> to vector<1x1xf32>
    %add3A_50 = arith.addf %get3A_46, %broadcast_in_dim3A_49 : vector<1x1xf32>
    %swap3A_51 = arith.constant 0 : index
    %swap3A_52 = arith.constant 0 : index
    %swap3A_53 = vector.load %arg7[%swap3A_51, %swap3A_52] : memref<1x1xf32, #tpu.memory_space<vmem>>, vector<1x1xf32>
    tpu.vector_store %arg7[%swap3A_51, %swap3A_52], %add3A_50 {strides = array<i32>} : memref<1x1xf32, #tpu.memory_space<vmem>>, vector<1x1xf32>,
    return
  }
  func.func @transform_0(%arg0: i32) -> (i32, i32) {
    %add3A = arith.constant 0 : i32
    %add3A_0 = arith.addi %add3A, %arg0 : i32
    %c0_i32 = arith.constant 0 : i32
    %c0_i32_1 = arith.constant 0 : i32
    return %add3A_0, %c0_i32 : i32, i32
  }
  func.func @transform_1(%arg0: i32) -> (i32, i32) {
    %c0_i32 = arith.constant 0 : i32
    %c0_i32_0 = arith.constant 0 : i32
    %c0_i32_1 = arith.constant 0 : i32
    return %c0_i32, %c0_i32_0 : i32, i32
  }
  func.func @transform_2(%arg0: i32) -> (i32, i32, i32) {
    %add3A = arith.constant 0 : i32
    %add3A_0 = arith.addi %add3A, %arg0 : i32
    %c0_i32 = arith.constant 0 : i32
    %c0_i32_1 = arith.constant 0 : i32
    %c0_i32_2 = arith.constant 0 : i32
    return %add3A_0, %c0_i32, %c0_i32_1 : i32, i32, i32
  }
  func.func @transform_3(%arg0: i32) -> (i32, i32, i32) {
    %add3A = arith.constant 0 : i32
    %add3A_0 = arith.addi %add3A, %arg0 : i32
    %c0_i32 = arith.constant 0 : i32
    %c0_i32_1 = arith.constant 0 : i32
    %c0_i32_2 = arith.constant 0 : i32
    return %add3A_0, %c0_i32, %c0_i32_1 : i32, i32, i32
  }
  func.func @transform_4(%arg0: i32) -> (i32, i32, i32) {
    %add3A = arith.constant 0 : i32
    %add3A_0 = arith.addi %add3A, %arg0 : i32
    %c0_i32 = arith.constant 0 : i32
    %c0_i32_1 = arith.constant 0 : i32
    %c0_i32_2 = arith.constant 0 : i32
    return %add3A_0, %c0_i32, %c0_i32_1 : i32, i32, i32
  }
  func.func @transform_5(%arg0: i32) -> (i32, i32, i32) {
    %c0_i32 = arith.constant 0 : i32
    %c0_i32_0 = arith.constant 0 : i32
    %c0_i32_1 = arith.constant 0 : i32
    return %arg0, %c0_i32, %c0_i32_0 : i32, i32, i32
  }
  func.func @transform_6(%arg0: i32) -> (i32, i32) {
    %c0_i32 = arith.constant 0 : i32
    %c0_i32_0 = arith.constant 0 : i32
    %c0_i32_1 = arith.constant 0 : i32
    return %c0_i32, %c0_i32_0 : i32, i32
  }
}

</mosaic_0001>

<sc_bundles>
// kernel: kernel.4.cloned.1.call-start
scs
__scs_entry_jumppad:
0x0: {  	(pc) =	sbr.rel $0x88, $3  }
0x1: {  	(tag) =	ssettag $0x0;
	lr =	simm.s32 $0x1  }
0x2: {  	[smem:$0x3F9F] =	sst lr;
	_ =	strace $0xD0000000  }
0x3: {  	_ = 	snop  }
0x4: {  	_ = 	snop  }
0x5: {  	_ = 	snop  }
0x6: {  	_ = 	snop  }
0x7: {  	_ = 	snop  }
__scs_overlays_trampoline_lowered:
0x8: {  	[smem:$0x3FAE] =	sst s0  }
0x9: {  	[smem:$0x3FAF] =	sst s1  }
0xa: {  	[smem:$0x3FB0] =	sst s2  }
0xb: {  	[smem:$0x3FB1] =	sst s3  }
0xc: {  	[smem:$0x3FB2] =	sst s4  }
0xd: {  	[smem:$0x3FB3] =	sst s5  }
0xe: {  	[smem:$0x3FB4] =	sst s6  }
0xf: {  	[smem:$0x3FB5] =	sst s7  }
0x10: {  	[smem:$0x3FB6] =	sst s8  }
0x11: {  	[smem:$0x3FB7] =	sst s9;
	s0 =	simm.s32 @!p0 $0x0  }
0x12: {  	s1 =	sld [smem:$0x3F9D];
	s0 =	simm.s32 @p0 $0x1  }
0x13: {  	[smem:$0x3FB8] =	sst s0;
	s0 =	simm.s32 @!p1 $0x0  }
0x14: {  	s2 =	sld [smem:$0x3F9C];
	s0 =	simm.s32 @p1 $0x1  }
0x15: {  	[smem:$0x3FB9] =	sst s0;
	s0 =	simm.s32 @!p2 $0x0  }
0x16: {  	s3 =	sld [smem:$0x3FDB];
	s0 =	simm.s32 @p2 $0x1  }
0x17: {  	s4 =	simm.s32 $0x1BF5;
	[smem:$0x3FBB] =	sst s0  }
0x18: {  	s0 =	sld [smem:$0x3F9E];
	_ =	swait.ge [sflag:s4], $0x0  }
0x19: {  	s7 =	sld [smem:$0x3F9F]  }
0x1a: {  	s8 =	sadd.s32 $0xFFFFE003, lr  }
0x1b: {  	s9 =	sadd.s32 $0xFFFFFEF7, lr;
	s5 =	simm.s32 $0xFFFFFFFF;
	p2 =	slt.u32 s8, $0xFFFFF086  }
0x1c: {  	p1 =	slt.u32 s9, $0xF7A;
	s5 =	simm.s32 @!p2 $0x0  }
0x1d: {  	s5 =	simm.s32 @p1 $0x1;
	p0 =	seq.s32 s7, s2  }
0x1e: {  	s7 =	smul.u32 @!p0 $0xF7A, s2;
	p2 =	seq.s32 @!p0 s5, $0x0  }
0x1f: {  	s9 =	smul.u32 $0xF7A, s1;
	s8 =	simm.s32 @!p0 $0x1BF5;
	p2 =	por !p2, p0  }
0x20: {  	[sflag:s8] =	ssyncset.s32 @!p0 $0xFFFFF086;
	s6 =	sadd.s32 @!p0 s3, s7;
	s7 =	simm.s32 @!p0 $0x108  }
0x21: {  	s3 =	sadd.s32 s3, s9;
	s6 =	sadd.s32 @!p0 $0x88, s6;
	s7 =	simm.s32 @p2 $0x1082  }
0x22: {  	[simem:s7], [sflag:s8] =	dma.local @!p0 [hbm:s6], $0xF7A  }
0x23: {  	s9 =	sor.u32 $0xD0000000, s2;
	s6 =	simm.s32 $0x108;
	_ =	swait.ge @!p0 [sflag:s8], $0x0  }
0x24: {  	s3 =	sadd.s32 $0x88, s3;
	s6 =	simm.s32 @!p1 $0x1082;
	[sflag:s4] =	ssyncset.s32 $0xFFFFF086  }
0x25: {  	[simem:s6], [sflag:s4] =	dma.local [hbm:s3], $0xF7A  }
0x26: {  	[smem:$0x3F9F] =	sst s1;
	(tag) =	ssettag s2;
	_ =	strace s9  }
0x27: {  	s1 =	sld [smem:$0x3FAF]  }
0x28: {  	s2 =	sld [smem:$0x3FB0]  }
0x29: {  	s4 =	sld [smem:$0x3FB2]  }
0x2a: {  	p0 =	seq.s32 s5, $0x0;
	s5 =	sld [smem:$0x3FB3]  }
0x2b: {  	s6 =	sld [smem:$0x3FB4]  }
0x2c: {  	s7 =	sld [smem:$0x3FB5]  }
0x2d: {  	s3 =	simm.s32 $0x108;
	s8 =	sld [smem:$0x3FB6]  }
0x2e: {  	s3 =	simm.s32 @!p0 $0x1082;
	s9 =	sld [smem:$0x3FB7]  }
0x2f: {  	lr =	sadd.s32 s0, s3;
	s0 =	sld [smem:$0x3FAE]  }
0x30: {  	s3 =	sld [smem:$0x3FB1]  }
0x31: {  	[smem:$0x3FBA] =	sst s10  }
0x32: {  	s10 =	sld [smem:$0x3FB8];
	_ =	sdelay $0x3  }
0x33: {  	p0 =	seq.s32 s10, $0x1;
	s10 =	sld [smem:$0x3FBA];
	_ =	sdelay $0x3  }
0x34: {  	[smem:$0x3FBA] =	sst s10  }
0x35: {  	s10 =	sld [smem:$0x3FB9];
	_ =	sdelay $0x3  }
0x36: {  	p1 =	seq.s32 s10, $0x1;
	s10 =	sld [smem:$0x3FBA];
	_ =	sdelay $0x3  }
0x37: {  	[smem:$0x3FBA] =	sst s10  }
0x38: {  	s10 =	sld [smem:$0x3FBB]  }
0x39: {  	_ = 	snop;
	(pc) =	sbr.ind lr, $3  }
0x3a: {  	_ = 	snop  }
0x3b: {  	_ = 	snop  }
0x3c: {  	p2 =	seq.s32 s10, $0x1;
	s10 =	sld [smem:$0x3FBA]  }
0x3d: {  	_ =	shalt  }
0x3e: {  	_ =	shalt  }
0x3f: {  	_ =	shalt  }
0x40: {  	_ =	shalt  }
0x41: {  	_ =	shalt  }
0x42: {  	_ =	shalt  }
0x43: {  	_ =	shalt  }
0x44: {  	_ =	shalt  }
0x45: {  	_ =	shalt  }
0x46: {  	_ =	shalt  }
0x47: {  	_ =	shalt  }
0x48: {  	_ =	shalt  }
0x49: {  	_ =	shalt  }
0x4a: {  	_ =	shalt  }
0x4b: {  	_ =	shalt  }
0x4c: {  	_ =	shalt  }
0x4d: {  	_ =	shalt  }
0x4e: {  	_ =	shalt  }
0x4f: {  	_ =	shalt  }
0x50: {  	_ =	shalt  }
0x51: {  	_ =	shalt  }
0x52: {  	_ =	shalt  }
0x53: {  	_ =	shalt  }
0x54: {  	_ =	shalt  }
0x55: {  	_ =	shalt  }
0x56: {  	_ =	shalt  }
0x57: {  	_ =	shalt  }
0x58: {  	_ =	shalt  }
0x59: {  	_ =	shalt  }
0x5a: {  	_ =	shalt  }
0x5b: {  	_ =	shalt  }
0x5c: {  	_ =	shalt  }
0x5d: {  	_ =	shalt  }
0x5e: {  	_ =	shalt  }
0x5f: {  	_ =	shalt  }
0x60: {  	_ =	shalt  }
0x61: {  	_ =	shalt  }
0x62: {  	_ =	shalt  }
0x63: {  	_ =	shalt  }
0x64: {  	_ =	shalt  }
0x65: {  	_ =	shalt  }
0x66: {  	_ =	shalt  }
0x67: {  	_ =	shalt  }
0x68: {  	_ =	shalt  }
0x69: {  	_ =	shalt  }
0x6a: {  	_ =	shalt  }
0x6b: {  	_ =	shalt  }
0x6c: {  	_ =	shalt  }
0x6d: {  	_ =	shalt  }
0x6e: {  	_ =	shalt  }
0x6f: {  	_ =	shalt  }
0x70: {  	_ =	shalt  }
0x71: {  	_ =	shalt  }
0x72: {  	_ =	shalt  }
0x73: {  	_ =	shalt  }
0x74: {  	_ =	shalt  }
0x75: {  	_ =	shalt  }
0x76: {  	_ =	shalt  }
0x77: {  	_ =	shalt  }
0x78: {  	_ =	shalt  }
0x79: {  	_ =	shalt  }
0x7a: {  	_ =	shalt  }
0x7b: {  	_ =	shalt  }
0x7c: {  	_ =	shalt  }
0x7d: {  	_ =	shalt  }
0x7e: {  	_ =	shalt  }
0x7f: {  	_ =	shalt  }
0x80: {  	_ =	shalt  }
0x81: {  	_ =	shalt  }
0x82: {  	_ =	shalt  }
0x83: {  	_ =	shalt  }
0x84: {  	_ =	shalt  }
0x85: {  	_ =	shalt  }
0x86: {  	_ =	shalt  }
0x87: {  	_ =	shalt  }
.Lfunc_end0:
.L_simem_size_0:
called_computation_lowered:
.L_overlay_start_0:
0x88: {  	s2 =	sld [smem:$0x3FD9]  }
0x89: {  	s3 =	sld [smem:$0x3FFE];
	_ =	sdelay $0x1  }
0x8a: {  	s1 =	srdreg.scid  }
0x8b: {  	s0 =	sand.u32 $0x1, s1  }
0x8c: {  	s14 =	sshll.u32 s0, $0xA;
	s2 =	sadd.s32 s3, s2  }
0x8d: {  	s2 =	sadd.s32 s2, s14  }
0x8e: {  	[smem:$0x3FC6] =	sst s2  }
0x8f: {  	_ = 	snop  }
0x90: {  	s2 =	sld [smem:$0x3FD0];
	_ =	sdelay $0x2  }
0x91: {  	s4 =	simm.s32 $0xA;
	s5 =	simm.s32 $0x10;
	s15 =	sld [smem:$0x3FC8]  }
0x92: {  	[smem:s5], [sflag:s4] =	dma.local [hbm:s2], $0x1  }
0x93: {  	_ =	swait.eq [sflag:s4], $0x1  }
0x94: {  	[sflag:s4] =	ssyncset.done $0x0  }
0x95: {  	[sflag:s4] =	ssyncadd.s32 $0xFFFFFFFF  }
0x96: {  	s16 =	sld [smem:$0x11];
	(tm) =	ssettm $0x1  }
0x97: {  	s17 =	sld [smem:$0x3FFB];
	_ =	sdelay $0x3  }
0x98: {  	_ =	strace s17  }
0x99: {  	s4 =	sld [smem:$0x3FFC];
	_ =	sdelay $0x3  }
0x9a: {  	_ =	strace s4  }
0x9b: {  	s4 =	sld [smem:$0x3FFD];
	_ =	sdelay $0x3  }
0x9c: {  	_ =	strace s4  }
0x9d: {  	_ =	strace $0x8FFFFFFF  }
0x9e: {  	s18 =	sld [smem:$0x3FDB];
	_ =	sdelay $0x1  }
0x9f: {  	s19 =	simm.s32 $_scs_section_size  }
0xa0: {  	s6 =	simm.s32 $_size__tile_overlayer_lowered;
	s7 =	simm.s32 $_tile_overlayer_lowered  }
0xa1: {  	s22 =	simm.s32 $0x1BFF;
	s21 =	sshll.u32 s7, $0x1;
	s4 =	sadd.s32 s19, s18  }
0xa2: {  	s8 =	simm.s32 $0x0;
	s20 =	sshll.u32 s6, $0x1;
	s6 =	sadd.s32 s21, s4  }
0xa3: {  	[timem:s8], [sflag:s22] =	dma.local [hbm:s6], s20  }
0xa4: {  	_ =	swait.ge [sflag:s22], s20  }
0xa5: {  	s5 =	ssub.s32 $0x0, s20;
	[sflag:s22] =	ssyncset.done $0x0  }
0xa6: {  	[sflag:s22] =	ssyncadd.s32 s5;
	_ =	sdelay $0x1  }
0xa7: {  	s23 =	simm.s32 $0x1B8B  }
0xa8: {  	_ =	swait.ge [sflag:s23], $0x1  }
0xa9: {  	[sflag:s23] =	ssyncset.done $0x0  }
0xaa: {  	s25 =	simm.s32 $0x1B8E;
	s24 =	sld [smem:$0x3FFE];
	[sflag:s23] =	ssyncadd.s32 $0xFFFFFFFF  }
0xab: {  	s26 =	simm.s32 $execute0_lowered;
	[smem:$0x3FD2] =	sst s25  }
0xac: {  	s6 =	sshll.u32 s26, $0x1;
	_ =	strace $0x80000046;
	[dreg:$0x1] =	wrdreg $0xFFFFFFFF  }
0xad: {  	s28 =	simm.s32 $_size_execute0_lowered;
	s4 =	sadd.s32 s4, s6;
	[dreg:$0x0] =	wrdreg $0x0  }
0xae: {  	s6 =	sshll.u32 s28, $0x1;
	[dreg:$0x2] =	wrdreg s4  }
0xaf: {  	[dreg:$0x3] =	wrdreg s6  }
0xb0: {  	[dreg:$0x4] =	wrdreg $0xC0  }
0xb1: {  	_ =	task [dreg:s8], $0x5FFFF  }
0xb2: {  	[dreg:$0x1] =	wrdreg $0xFFFFFFFF  }
0xb3: {  	[dreg:$0x0] =	wrdreg $0x60  }
0xb4: {  	[dreg:$0x2] =	wrdreg s24  }
0xb5: {  	[dreg:$0x3] =	wrdreg s15  }
0xb6: {  	[dreg:$0x4] =	wrdreg s16  }
0xb7: {  	[dreg:$0x5] =	wrdreg $0x9  }
0xb8: {  	_ =	task.clear_ibuf [dreg:s8], $0x6FFFF;
	_ =	strace $0x90000046  }
0xb9: {  	s29 =	simm.s32 $0x9;
	_ =	strace $0x80000048  }
0xba: {  	_ =	swait.ge [sflag:s29], $0x1  }
0xbb: {  	[sflag:s29] =	ssyncadd.s32 $0xFFFFFFFF  }
0xbc: {  	_ =	strace $0x90000048  }
0xbd: {  	_ =	sfence  }
0xbe: {  	s30 =	sld [smem:$0x0];
	_ =	sdelay $0x2  }
0xbf: {  	s31 =	sshll.u32 s1, $0xD;
	s1 =	sshrl.u32 s1, $0x2  }
0xc0: {  	s3 =	sand.u32 $0x4000, s31;
	s1 =	sadd.s32 s1, s30  }
0xc1: {  	s0 =	sor.u32 s3, s0;
	s1 =	sshll.u32 s1, $0x11  }
0xc2: {  	s0 =	sor.u32 s1, s0  }
0xc3: {  	s0 =	sadd.s32 $0x8F2B, s0  }
0xc4: {  	[sflag:s0] =	ssyncadd.remote.s32 $0x1  }
0xc5: {  	_ =	sfence.sel $0xFFFF  }
0xc6: {  	[dreg:$0x0] =	wrdreg $0xFFFFFFFF;
	(pc) =	sbr.abs _section_cstart, $3  }
0xc7: {  	[dreg:$0x1] =	wrdreg $0xFFFFFFFF  }
0xc8: {  	_ =	task.clear_ibuf [dreg:s8], $0x2FFFF;
	_ =	strace $0x9FFFFFFF  }
0xc9: {  	(tm) =	ssettm $0x7FFFFFFF  }
tec
execute0_lowered:
.L_overlay_start_1:
0x0: {  	(tag) =	ssettag $0x1  }
0x1: {  	s4 =	rddreg [dreg:$0x0]  }
0x2: {  	s2 =	rddreg [dreg:$0x1]  }
0x3: {  	s1 =	srdreg.scid;
	s0 =	stileid.u32  }
0x4: {  	s5 =	rddreg [dreg:$0x2];
	s3 =	simm.s32 $0x0;
	s10 =	simm.s32 $0x5C80  }
0x5: {  	s11 =	simm.s32 $0x1;
	s12 =	simm.s32 $0x2;
	s6 =	sand.u32 $0x1, s1  }
0x6: {  	s7 =	sshll.u32 s0, $0x1;
	s1 =	rddreg [dreg:$0x3];
	s9 =	smul.u32 $0x19000, s0  }
0x7: {  	s7 =	sor.u32 s6, s7;
	s8 =	ssub.s32 $0x2, s6;
	s6 =	smul.u32 $0xC800, s6  }
0x8: {  	s13 =	simm.s32 $0x0;
	[smem:$0x7FF] =	sst s3;
	s7 =	smul.u32 $0xC80, s7  }
0x9: {  	_ =	strace $0x80000047;
	s30 =	sshrl.u32 s8, $0x1;
	s31 =	sadd.s32 s9, s5  }
0xa: {  	s9 =	simm.s32 $0xC80;
	s6 =	sadd.s32 s6, s31;
	s7 =	sshrl.u32 s7, $0x3  }
0xb: {  	s4 =	sadd.s32 s7, s4;
	s7 =	ssub.s32 s8, s30;
	s8 =	simm.s32 $0xA0  }
0xc: {  	s4 =	sadd.s32 $0xA00, s4;
	s5 =	smax.u32 s7, $0x1;
	s7 =	simm.s32 $0x3  }
.LBB2_1:
0xd: {  	[tilespmem:s3], [sflag:$0x3] =	stream.linear.gather [hbm4b:s4+s3], $0xC80, $0x38;
	[tilespmem:$0xAC80] =	vst v63  }
0xe: {  	_ =	swait.ge [sflag:s7], $0xC80  }
0xf: {  	[sflag:s7] =	ssyncset.done $0x0  }
0x10: {  	s14 =	simm.s32 $0x0;
	[sflag:s7] =	ssyncadd.s32 $0xFFFFF380  }
0x11: {  	[tilespmem:s9], [sflag:$0x1] =	stream.indirect.gather [hbm4b:s2+s8], $0x80, s14, s8, $0xb8;
	[tilespmem:$0xAC80] =	vst v63  }
0x12: {  	s30 =	simm.s32 $0xA0  }
0x13: {  	[tilespmem:s10], [sflag:$0x2] =	stream.indirect.gather [hbm4b:s2+s8], $0x80, s30, s8, $0xb8;
	[tilespmem:$0xAC80] =	vst v63  }
0x14: {  	_ =	swait.ge [sflag:s11], $0x5000  }
0x15: {  	[sflag:s11] =	ssyncset.done $0x0  }
0x16: {  	[sflag:s11] =	ssyncadd.s32 $0xFFFFB000  }
0x17: {  	[hbm4b:s6+s3] =	stream.linear.scatter [tilespmem:s9], [sflag:$0x3], $0x5000, $0x38;
	[tilespmem:$0xAC80] =	vst v63  }
0x18: {  	_ =	swait.ge [sflag:s7], $0x5000  }
0x19: {  	[sflag:s7] =	ssyncset.done $0x0  }
0x1a: {  	[sflag:s7] =	ssyncadd.s32 $0xFFFFB000  }
0x1b: {  	_ =	swait.ge [sflag:s12], $0x5000  }
0x1c: {  	[sflag:s12] =	ssyncset.done $0x0  }
0x1d: {  	s31 =	sadd.s32 $0xA00, s6;
	[sflag:s12] =	ssyncadd.s32 $0xFFFFB000  }
0x1e: {  	[hbm4b:s31+s3] =	stream.linear.scatter [tilespmem:s10], [sflag:$0x3], $0x5000, $0x38;
	[tilespmem:$0xAC80] =	vst v63  }
0x1f: {  	s15 =	simm.s32 $0x500;
	_ =	swait.ge [sflag:s7], $0x5000  }
0x20: {  	s16 =	simm.s32 $0xA00;
	s14 =	sadd.s32 $0x1400, s6;
	[sflag:s7] =	ssyncset.done $0x0  }
.LBB2_2:
0x21: {  	s17 =	sshra.s32 s15, $0x2  }
0x22: {  	[sflag:s7] =	ssyncadd.s32 $0xFFFFB000;
	s15 =	smov.u32 s16;
	s18 =	sadd.s32 $0x500, s16  }
0x23: {  	[tilespmem:s9], [sflag:$0x1] =	stream.indirect.gather [hbm4b:s2+s8], $0x80, s17, s8, $0xb8;
	[tilespmem:$0xAC80] =	vst v63  }
0x24: {  	p0 =	sne.s32 s16, $0x2D00;
	s16 =	sadd.s32 $0xA0, s17  }
0x25: {  	[tilespmem:s10], [sflag:$0x2] =	stream.indirect.gather [hbm4b:s2+s8], $0x80, s16, s8, $0xb8;
	[tilespmem:$0xAC80] =	vst v63  }
0x26: {  	_ =	swait.ge [sflag:s11], $0x5000  }
0x27: {  	[sflag:s11] =	ssyncset.done $0x0  }
0x28: {  	[sflag:s11] =	ssyncadd.s32 $0xFFFFB000  }
0x29: {  	[hbm4b:s14+s3] =	stream.linear.scatter [tilespmem:s9], [sflag:$0x3], $0x5000, $0x38;
	[tilespmem:$0xAC80] =	vst v63  }
0x2a: {  	_ =	swait.ge [sflag:s7], $0x5000  }
0x2b: {  	[sflag:s7] =	ssyncset.done $0x0  }
0x2c: {  	[sflag:s7] =	ssyncadd.s32 $0xFFFFB000  }
0x2d: {  	_ =	swait.ge [sflag:s12], $0x5000  }
.Ltmp0:
0x2e: {  	[sflag:s12] =	ssyncset.done $0x0;
	(pc) =	sbr.rel @p0 .LBB2_2-.Ltmp0, $4  }
0x2f: {  	s16 =	sadd.s32 $0xA00, s14;
	[sflag:s12] =	ssyncadd.s32 $0xFFFFB000  }
0x30: {  	[hbm4b:s16+s3] =	stream.linear.scatter [tilespmem:s10], [sflag:$0x3], $0x5000, $0x38;
	[tilespmem:$0xAC80] =	vst v63  }
0x31: {  	_ =	swait.ge [sflag:s7], $0x5000  }
0x32: {  	s14 =	sadd.s32 $0x1400, s14;
	s16 =	smov.u32 s18;
	[sflag:s7] =	ssyncset.done $0x0  }
0x33: {  	s15 =	sshra.s32 s15, $0x2;
	[sflag:s7] =	ssyncadd.s32 $0xFFFFB000  }
0x34: {  	[tilespmem:s9], [sflag:$0x1] =	stream.indirect.gather [hbm4b:s2+s8], $0x80, s15, s8, $0xb8;
	[tilespmem:$0xAC80] =	vst v63  }
0x35: {  	s15 =	sadd.s32 $0xA0, s15  }
0x36: {  	[tilespmem:s10], [sflag:$0x2] =	stream.indirect.gather [hbm4b:s2+s8], $0x80, s15, s8, $0xb8;
	[tilespmem:$0xAC80] =	vst v63  }
0x37: {  	_ =	swait.ge [sflag:s11], $0x5000  }
0x38: {  	[sflag:s11] =	ssyncset.done $0x0  }
0x39: {  	[sflag:s11] =	ssyncadd.s32 $0xFFFFB000  }
0x3a: {  	[hbm4b:s14+s3] =	stream.linear.scatter [tilespmem:s9], [sflag:$0x3], $0x5000, $0x38;
	[tilespmem:$0xAC80] =	vst v63  }
0x3b: {  	_ =	swait.ge [sflag:s7], $0x5000  }
0x3c: {  	[sflag:s7] =	ssyncset.done $0x0  }
0x3d: {  	[sflag:s7] =	ssyncadd.s32 $0xFFFFB000  }
0x3e: {  	s13 =	sadd.s32 $0x1, s13;
	_ =	swait.ge [sflag:s12], $0x5000  }
0x3f: {  	p0 =	sne.s32 s13, s5;
	[sflag:s12] =	ssyncset.done $0x0  }
.Ltmp1:
0x40: {  	s31 =	sadd.s32 $0xA00, s14;
	[sflag:s12] =	ssyncadd.s32 $0xFFFFB000;
	(pc) =	sbr.rel @p0 .LBB2_1-.Ltmp1, $4  }
0x41: {  	[hbm4b:s31+s3] =	stream.linear.scatter [tilespmem:s10], [sflag:$0x3], $0x5000, $0x38;
	[tilespmem:$0xAC80] =	vst v63  }
0x42: {  	_ =	swait.ge [sflag:s7], $0x5000  }
0x43: {  	[sflag:s7] =	ssyncset.done $0x0  }
0x44: {  	[sflag:s7] =	ssyncadd.s32 $0xFFFFB000  }
0x45: {  	_ =	sfence.sel $0x180000  }
0x46: {  	[bflag:$0x0] =	sbarrier.arrive $0xFFFF  }
0x47: {  	p0 =	sne.s32 s0, $0x0;
	_ =	strace $0x90000047  }
0x48: {  	s0 =	sadd.s32 @!p0 $0x100000, s1;
	[bflag:$0x2] =	sbarrier.arrive $0xFFFF  }
0x49: {  	[sflag:s0] =	ssyncadd.tile.s32 @!p0 $0x1;
	_ =	shalt  }
.Lfunc_end2:
_tile_overlayer_lowered:
.L_overlay_start_2:
0x4a: {  	(tag) =	ssettag $0x2  }
0x4b: {  	s0 =	rddreg [dreg:$0x0];
	s2 =	stileid.u32  }
0x4c: {  	s1 =	rddreg [dreg:$0x1];
	p0 =	sne.s32 s2, $0x0  }
0x4d: {  	s3 =	rddreg [dreg:$0x2];
	[bflag:$0x3] =	sbarrier.arrive $0xFFFF;
	s2 =	simm.s32 @!p0 $0x1C03  }
0x4e: {  	[timem:s3], [sflag:s2] =	dma.local @!p0 [hbm:s0], s1  }
0x4f: {  	s0 =	simm.s32 @!p0 $0x3  }
0x50: {  	_ =	swait.ge @!p0 [sflag:s0], s1  }
0x51: {  	s1 =	ssub.s32 @!p0 $0x0, s1;
	[sflag:s0] =	ssyncset.done @!p0 $0x0  }
0x52: {  	[sflag:s0] =	ssyncadd.s32 @!p0 s1  }
0x53: {  	[bflag:$0x3] =	sbarrier.arrive $0xFFFF  }
0x54: {  	_ =	shalt  }

</sc_bundles>
